<compile_context>
chip_gen: v7x
topology: tpu7x:2x2x1
jax: 0.10.2.dev20260603
libtpu: 0.0.44.dev20260713+nightly
codegen_flags: <defaults>
</compile_context>

<pallas_src>
import functools

import jax
import jax.numpy as jnp
from jax import lax
from jax.experimental import pallas as pl
from jax.experimental.pallas import tpu as pltpu
from jax.experimental.pallas import tpu_sc as plsc

N_ATOMS = 100000
N_PAIRS = 6400000
N_MOL = 1000
RADIUS = 5.0
ENERGY_CONV = 14.399645

NC = 2
NS = 16
L = 16
NW = NC * NS
PER_TILE = N_PAIRS // NW
BLK = 4000
NBLK = PER_TILE // BLK
VREGS = BLK // L
UNROLL = 10
ACC_W = 1024

_C = (7.1992545, -0.70983636, 0.023198491, -0.00029170883, 1.5502035e-06)


def _sc_body(tab_hbm, pf_hbm, ps_hbm, pd_hbm, out_hbm,
             tab_v, i1_v, i2_v, d_v, acc_v, sems, tab_sem):
    wid = lax.axis_index("c") * NS + lax.axis_index("s")
    base = wid * PER_TILE

    tab_cp = pltpu.make_async_copy(tab_hbm, tab_v, tab_sem)
    tab_cp.start()

    def copies(b, sel):
        off = base + b * BLK
        dst = pl.ds(sel * BLK, BLK)
        return (
            pltpu.make_async_copy(pf_hbm.at[pl.ds(off, BLK)], i1_v.at[dst],
                                  sems.at[sel, 0]),
            pltpu.make_async_copy(ps_hbm.at[pl.ds(off, BLK)], i2_v.at[dst],
                                  sems.at[sel, 1]),
            pltpu.make_async_copy(pd_hbm.at[pl.ds(off, BLK)], d_v.at[dst],
                                  sems.at[sel, 2]),
        )

    for c in copies(0, 0):
        c.start()

    @plsc.parallel_loop(0, ACC_W // L, step=1, unroll=8)
    def zero(j):
        acc_v[pl.ds(j * L, L)] = jnp.zeros((L,), jnp.float32)

    tab_cp.wait()

    def block(b, _):
        sel = jnp.bitwise_and(b, 1)

        @pl.when(b < NBLK - 1)
        def _():
            for c in copies(b + 1, 1 - sel):
                c.start()

        for c in copies(b, sel):
            c.wait()

        vbase = sel * BLK

        @plsc.parallel_loop(0, VREGS, step=1, unroll=UNROLL)
        def inner(i):
            o = vbase + i * L
            i1 = i1_v[pl.ds(o, L)]
            i2 = i2_v[pl.ds(o, L)]
            d = d_v[pl.ds(o, L)]
            t1 = plsc.load_gather(tab_v, [i1])
            t2 = plsc.load_gather(tab_v, [i2])
            m = jnp.bitwise_and(t1, jnp.int32(1023))
            q1 = plsc.bitcast(t1, jnp.float32)
            q2 = plsc.bitcast(t2, jnp.float32)
            v = jnp.minimum(d * d, jnp.float32(RADIUS * RADIUS))
            p = jnp.float32(_C[4])
            p = p * v + jnp.float32(_C[3])
            p = p * v + jnp.float32(_C[2])
            p = p * v + jnp.float32(_C[1])
            p = p * v + jnp.float32(_C[0])
            e = q1 * q2 * (p / d)
            plsc.addupdate_scatter(acc_v, [m], e)

        return 0

    lax.fori_loop(0, NBLK, block, 0)

    pltpu.sync_copy(acc_v, out_hbm.at[wid])


_sc_kernel = functools.partial(
    pl.kernel,
    out_type=jax.ShapeDtypeStruct((NW, ACC_W), jnp.float32),
    mesh=plsc.VectorSubcoreMesh(
        core_axis_name="c", subcore_axis_name="s",
        num_cores=NC, num_subcores=NS),
    compiler_params=pltpu.CompilerParams(needs_layout_passes=False),
    scratch_types=[
        pltpu.VMEM((N_ATOMS,), jnp.int32),
        pltpu.VMEM((2 * BLK,), jnp.int32),
        pltpu.VMEM((2 * BLK,), jnp.int32),
        pltpu.VMEM((2 * BLK,), jnp.float32),
        pltpu.VMEM((ACC_W,), jnp.float32),
        pltpu.SemaphoreType.DMA((2, 3)),
        pltpu.SemaphoreType.DMA,
    ],
)(_sc_body)


def _tc_reduce_body(p_ref, o_ref):
    o_ref[...] = jnp.sum(p_ref[...], axis=0, keepdims=True)


_tc_reduce = pl.pallas_call(
    _tc_reduce_body,
    out_shape=jax.ShapeDtypeStruct((1, ACC_W), jnp.float32),
)


def kernel(charges, pair_dist, pair_first, pair_second, mol_index, n_molecules):
    q = charges.reshape(N_ATOMS)
    bits = lax.bitcast_convert_type(q, jnp.int32)
    hi = jnp.right_shift(bits - mol_index + jnp.int32(512), jnp.int32(10))
    packed = jnp.bitwise_or(jnp.left_shift(hi, jnp.int32(10)), mol_index)
    partials = _sc_kernel(packed, pair_first, pair_second, pair_dist)
    row = _tc_reduce(partials)
    return row[0, :N_MOL].reshape(N_MOL, 1)

# --- scband reference (transcript-rebuilt; emitter-appended) ---
"""Pipeline reference for scband-screened-coulomb-energy-49563922596532 (READ-ONLY COPY).

The authoritative reference and input builder live on the scoring server;
editing this copy changes nothing except your own understanding.
"""

import jax, jax.numpy as jnp
import numpy as np

N_ATOMS = 100000
N_PAIRS = 6400000
N_MOL = 1000
RADIUS = 5.0
ENERGY_CONV = 14.399645


def screening_fn(pair_dist, radius):
    # cosine-cutoff screening: 1 at d=0, smoothly 0 at d=radius
    return 0.5 * (jnp.cos(jnp.pi * pair_dist / radius) + 1.0)


def setup_inputs(seed: int = 0) -> dict:
    key = jax.random.key(seed)
    k1, k2, k3, k4, k5 = jax.random.split(key, 5)
    charges = jax.random.normal(k1, (N_ATOMS, 1), dtype=jnp.float32)
    pair_dist = jax.random.uniform(k2, (N_PAIRS,), dtype=jnp.float32, minval=0.1, maxval=8.0)
    pair_first = jax.random.randint(k3, (N_PAIRS,), 0, N_ATOMS, dtype=jnp.int32)
    pair_second = jax.random.randint(k4, (N_PAIRS,), 0, N_ATOMS, dtype=jnp.int32)
    mol_index = jnp.sort(jax.random.randint(k5, (N_ATOMS,), 0, N_MOL, dtype=jnp.int32))
    return {
        "charges": charges,
        "pair_dist": pair_dist,
        "pair_first": pair_first,
        "pair_second": pair_second,
        "mol_index": mol_index,
        "n_molecules": N_MOL,
    }


def reference(charges, pair_dist, pair_first, pair_second, mol_index, n_molecules):
    # base coulomb per pair: q_i * q_j / r_ij
    base_coulomb = charges[pair_first] * charges[pair_second] / pair_dist[:, None]
    # screening, zeroed beyond cutoff radius
    s = screening_fn(pair_dist, RADIUS)[:, None]
    s = jnp.where((pair_dist < RADIUS)[:, None], s, jnp.zeros_like(s))
    coulomb_pairs = base_coulomb * s
    # MolPairSummer: sum pairs into molecules via mol_index[pair_first]
    pair_mol = mol_index[pair_first]
    coulomb_molecule = jax.ops.segment_sum(coulomb_pairs, pair_mol, num_segments=N_MOL)
    coulomb_molecule = 0.5 * ENERGY_CONV * coulomb_molecule
    n_mol_zero = (jnp.asarray(n_molecules) - jnp.asarray(n_molecules)).astype(coulomb_molecule.dtype)
    coulomb_molecule = coulomb_molecule + n_mol_zero
    return coulomb_molecule

if __name__ == "__main__":
    import jax
    _d = setup_inputs()
    print(jax.jit(kernel)(*tuple(_d.values())))

</pallas_src>

<mosaic_0001>
#map = affine_map<(d0, d1) -> (0)>
#map1 = affine_map<(d0, d1) -> (0, 0)>
module attributes {stable_mosaic.version = 14 : i64} {
  func.func @_sc_body(%arg0: i32, %arg1: i32, %arg2: memref<100000xi32, #tpu.memory_space<hbm>>, %arg3: memref<6400000xi32, #tpu.memory_space<hbm>>, %arg4: memref<6400000xi32, #tpu.memory_space<hbm>>, %arg5: memref<6400000xf32, #tpu.memory_space<hbm>>, %arg6: memref<32x1024xf32, #tpu.memory_space<hbm>>, %arg7: memref<100000xi32, #tpu.memory_space<vmem>>, %arg8: memref<8000xi32, #tpu.memory_space<vmem>>, %arg9: memref<8000xi32, #tpu.memory_space<vmem>>, %arg10: memref<8000xf32, #tpu.memory_space<vmem>>, %arg11: memref<1024xf32, #tpu.memory_space<vmem>>, %arg12: memref<2x3x!tpu.dma_semaphore, #tpu.memory_space<semaphore_mem>>, %arg13: memref<!tpu.dma_semaphore, #tpu.memory_space<semaphore_mem>>) attributes {dimension_semantics = [#tpu.dimension_semantics<core_parallel>, #tpu.dimension_semantics<subcore_parallel>], iteration_bounds = array<i64: 2, 16>, scalar_prefetch = 0 : i64, scratch_operands = 7 : i64, tpu.core_type = #tpu.core_type<sc_vector_subcore>, window_params = [{transform_indices = #map}, {transform_indices = #map}, {transform_indices = #map}, {transform_indices = #map}, {transform_indices = #map1}]} {
    %mul3A = arith.constant 16 : i32
    %mul3A_0 = arith.muli %arg0, %mul3A : i32
    %add3A = arith.addi %mul3A_0, %arg1 : i32
    %mul3A_1 = arith.constant 200000 : i32
    %mul3A_2 = arith.muli %add3A, %mul3A_1 : i32
    tpu.enqueue_dma source(%arg2 : memref<100000xi32, #tpu.memory_space<hbm>>) target(%arg7 : memref<100000xi32, #tpu.memory_space<vmem>>) target_semaphore(%arg13 : memref<!tpu.dma_semaphore, #tpu.memory_space<semaphore_mem>>)
    %add3A_3 = arith.constant 0 : i32
    %add3A_4 = arith.addi %mul3A_2, %add3A_3 : i32
    %dma_start3A = arith.constant 0 : i32
    %dma_start3A_5 = arith.constant 0 : i32
    %dma_start3A_6 = arith.constant 0 : i32
    %dma_start3A_7 = tpu.memref_slice %arg8[%dma_start3A_6] : memref<8000xi32, #tpu.memory_space<vmem>> -> memref<4000xi32, #tpu.memory_space<vmem>>
    %dma_start3A_8 = tpu.memref_slice %arg3[%add3A_4] : memref<6400000xi32, #tpu.memory_space<hbm>> -> memref<4000xi32, #tpu.memory_space<hbm>>
    %dma_start3A_9 = tpu.memref_slice %arg12[%dma_start3A, %dma_start3A_5] : memref<2x3x!tpu.dma_semaphore, #tpu.memory_space<semaphore_mem>> -> memref<1x1x!tpu.dma_semaphore, #tpu.memory_space<semaphore_mem>>
    %dma_start3A_10 = tpu.memref_squeeze %dma_start3A_9 : memref<1x1x!tpu.dma_semaphore, #tpu.memory_space<semaphore_mem>> -> memref<!tpu.dma_semaphore, #tpu.memory_space<semaphore_mem>>
    %dma_start3A_11 = arith.constant 0 : i32
    %dma_start3A_12 = tpu.memref_slice %arg8[%dma_start3A_11] : memref<8000xi32, #tpu.memory_space<vmem>> -> memref<4000xi32, #tpu.memory_space<vmem>>
    %dma_start3A_13 = tpu.memref_slice %arg3[%add3A_4] : memref<6400000xi32, #tpu.memory_space<hbm>> -> memref<4000xi32, #tpu.memory_space<hbm>>
    tpu.enqueue_dma source(%dma_start3A_13 : memref<4000xi32, #tpu.memory_space<hbm>>) target(%dma_start3A_12 : memref<4000xi32, #tpu.memory_space<vmem>>) target_semaphore(%dma_start3A_10 : memref<!tpu.dma_semaphore, #tpu.memory_space<semaphore_mem>>)
    %dma_start3A_14 = arith.constant 0 : i32
    %dma_start3A_15 = arith.constant 1 : i32
    %dma_start3A_16 = arith.constant 0 : i32
    %dma_start3A_17 = tpu.memref_slice %arg9[%dma_start3A_16] : memref<8000xi32, #tpu.memory_space<vmem>> -> memref<4000xi32, #tpu.memory_space<vmem>>
    %dma_start3A_18 = tpu.memref_slice %arg4[%add3A_4] : memref<6400000xi32, #tpu.memory_space<hbm>> -> memref<4000xi32, #tpu.memory_space<hbm>>
    %dma_start3A_19 = tpu.memref_slice %arg12[%dma_start3A_14, %dma_start3A_15] : memref<2x3x!tpu.dma_semaphore, #tpu.memory_space<semaphore_mem>> -> memref<1x1x!tpu.dma_semaphore, #tpu.memory_space<semaphore_mem>>
    %dma_start3A_20 = tpu.memref_squeeze %dma_start3A_19 : memref<1x1x!tpu.dma_semaphore, #tpu.memory_space<semaphore_mem>> -> memref<!tpu.dma_semaphore, #tpu.memory_space<semaphore_mem>>
    %dma_start3A_21 = arith.constant 0 : i32
    %dma_start3A_22 = tpu.memref_slice %arg9[%dma_start3A_21] : memref<8000xi32, #tpu.memory_space<vmem>> -> memref<4000xi32, #tpu.memory_space<vmem>>
    %dma_start3A_23 = tpu.memref_slice %arg4[%add3A_4] : memref<6400000xi32, #tpu.memory_space<hbm>> -> memref<4000xi32, #tpu.memory_space<hbm>>
    tpu.enqueue_dma source(%dma_start3A_23 : memref<4000xi32, #tpu.memory_space<hbm>>) target(%dma_start3A_22 : memref<4000xi32, #tpu.memory_space<vmem>>) target_semaphore(%dma_start3A_20 : memref<!tpu.dma_semaphore, #tpu.memory_space<semaphore_mem>>)
    %dma_start3A_24 = arith.constant 0 : i32
    %dma_start3A_25 = arith.constant 2 : i32
    %dma_start3A_26 = arith.constant 0 : i32
    %dma_start3A_27 = tpu.memref_slice %arg10[%dma_start3A_26] : memref<8000xf32, #tpu.memory_space<vmem>> -> memref<4000xf32, #tpu.memory_space<vmem>>
    %dma_start3A_28 = tpu.memref_slice %arg5[%add3A_4] : memref<6400000xf32, #tpu.memory_space<hbm>> -> memref<4000xf32, #tpu.memory_space<hbm>>
    %dma_start3A_29 = tpu.memref_slice %arg12[%dma_start3A_24, %dma_start3A_25] : memref<2x3x!tpu.dma_semaphore, #tpu.memory_space<semaphore_mem>> -> memref<1x1x!tpu.dma_semaphore, #tpu.memory_space<semaphore_mem>>
    %dma_start3A_30 = tpu.memref_squeeze %dma_start3A_29 : memref<1x1x!tpu.dma_semaphore, #tpu.memory_space<semaphore_mem>> -> memref<!tpu.dma_semaphore, #tpu.memory_space<semaphore_mem>>
    %dma_start3A_31 = arith.constant 0 : i32
    %dma_start3A_32 = tpu.memref_slice %arg10[%dma_start3A_31] : memref<8000xf32, #tpu.memory_space<vmem>> -> memref<4000xf32, #tpu.memory_space<vmem>>
    %dma_start3A_33 = tpu.memref_slice %arg5[%add3A_4] : memref<6400000xf32, #tpu.memory_space<hbm>> -> memref<4000xf32, #tpu.memory_space<hbm>>
    tpu.enqueue_dma source(%dma_start3A_33 : memref<4000xf32, #tpu.memory_space<hbm>>) target(%dma_start3A_32 : memref<4000xf32, #tpu.memory_space<vmem>>) target_semaphore(%dma_start3A_30 : memref<!tpu.dma_semaphore, #tpu.memory_space<semaphore_mem>>)
    %parallel_loop3A = arith.constant 0 : i32
    %parallel_loop3A_34 = arith.constant 64 : i32
    %parallel_loop3A_35 = arith.constant 1 : i32
    scf.for %parallel_loop3A_42 = %parallel_loop3A to %parallel_loop3A_34 step %parallel_loop3A_35  : i32 {
      %parallel_loop3A_43 = arith.constant 0.000000e+00 : f32
      %parallel_loop3A_44 = vector.broadcast %parallel_loop3A_43 : f32 to vector<16xf32>
      %parallel_loop3A_45 = arith.constant 16 : i32
      %parallel_loop3A_46 = arith.muli %parallel_loop3A_42, %parallel_loop3A_45 : i32
      %parallel_loop3A_47 = arith.index_cast %parallel_loop3A_46 : i32 to index
      %parallel_loop3A_48 = tpu.vector_load %arg11[%parallel_loop3A_47] {strides = array<i32>} : memref<1024xf32, #tpu.memory_space<vmem>>, vector<16xf32>,
      tpu.vector_store %arg11[%parallel_loop3A_47], %parallel_loop3A_44 {strides = array<i32>} : memref<1024xf32, #tpu.memory_space<vmem>>, vector<16xf32>,
    } {sc.loop_unroll_factor = 8 : i64, sc.parallel_access}
    tpu.wait_dma2 semaphore(%arg13 : memref<!tpu.dma_semaphore, #tpu.memory_space<semaphore_mem>>) src(%arg2 : memref<100000xi32, #tpu.memory_space<hbm>>) dst(%arg7 : memref<100000xi32, #tpu.memory_space<vmem>>)
    %scan3A = arith.constant 0 : i32
    %scan3A_36 = arith.constant 0 : i32
    %scan3A_37 = arith.constant 50 : i32
    %scan3A_38 = arith.addi %scan3A_36, %scan3A_37 : i32
    %scan3A_39 = arith.constant 1 : i32
    %scan3A_40 = scf.for %scan3A_42 = %scan3A_36 to %scan3A_38 step %scan3A_39 iter_args(%scan3A_43 = %scan3A) -> (i32)  : i32 {
      %and3A = arith.constant 1 : i32
      %and3A_44 = arith.andi %scan3A_42, %and3A : i32
      %lt3A = arith.constant 49 : i32
      %lt3A_45 = arith.cmpi slt, %scan3A_42, %lt3A : i32
      %convert_element_type3A = arith.extui %lt3A_45 : i1 to i32
      %cond3A = arith.constant 0 : i32
      %cond3A_46 = arith.cmpi ne, %convert_element_type3A, %cond3A : i32
      scf.if %cond3A_46 {
        %add3A_78 = arith.constant 1 : i32
        %add3A_79 = arith.addi %scan3A_42, %add3A_78 : i32
        %sub3A = arith.constant 1 : i32
        %sub3A_80 = arith.subi %sub3A, %and3A_44 : i32
        %mul3A_81 = arith.constant 4000 : i32
        %mul3A_82 = arith.muli %add3A_79, %mul3A_81 : i32
        %add3A_83 = arith.addi %mul3A_2, %mul3A_82 : i32
        %mul3A_84 = arith.constant 4000 : i32
        %mul3A_85 = arith.muli %sub3A_80, %mul3A_84 : i32
        %dma_start3A_86 = arith.constant 0 : i32
        %dma_start3A_87 = tpu.memref_slice %arg8[%mul3A_85] : memref<8000xi32, #tpu.memory_space<vmem>> -> memref<4000xi32, #tpu.memory_space<vmem>>
        %dma_start3A_88 = tpu.memref_slice %arg3[%add3A_83] : memref<6400000xi32, #tpu.memory_space<hbm>> -> memref<4000xi32, #tpu.memory_space<hbm>>
        %dma_start3A_89 = tpu.memref_slice %arg12[%sub3A_80, %dma_start3A_86] : memref<2x3x!tpu.dma_semaphore, #tpu.memory_space<semaphore_mem>> -> memref<1x1x!tpu.dma_semaphore, #tpu.memory_space<semaphore_mem>>
        %dma_start3A_90 = tpu.memref_squeeze %dma_start3A_89 : memref<1x1x!tpu.dma_semaphore, #tpu.memory_space<semaphore_mem>> -> memref<!tpu.dma_semaphore, #tpu.memory_space<semaphore_mem>>
        %dma_start3A_91 = tpu.memref_slice %arg8[%mul3A_85] : memref<8000xi32, #tpu.memory_space<vmem>> -> memref<4000xi32, #tpu.memory_space<vmem>>
        %dma_start3A_92 = tpu.memref_slice %arg3[%add3A_83] : memref<6400000xi32, #tpu.memory_space<hbm>> -> memref<4000xi32, #tpu.memory_space<hbm>>
        tpu.enqueue_dma source(%dma_start3A_92 : memref<4000xi32, #tpu.memory_space<hbm>>) target(%dma_start3A_91 : memref<4000xi32, #tpu.memory_space<vmem>>) target_semaphore(%dma_start3A_90 : memref<!tpu.dma_semaphore, #tpu.memory_space<semaphore_mem>>)
        %dma_start3A_93 = arith.constant 1 : i32
        %dma_start3A_94 = tpu.memref_slice %arg9[%mul3A_85] : memref<8000xi32, #tpu.memory_space<vmem>> -> memref<4000xi32, #tpu.memory_space<vmem>>
        %dma_start3A_95 = tpu.memref_slice %arg4[%add3A_83] : memref<6400000xi32, #tpu.memory_space<hbm>> -> memref<4000xi32, #tpu.memory_space<hbm>>
        %dma_start3A_96 = tpu.memref_slice %arg12[%sub3A_80, %dma_start3A_93] : memref<2x3x!tpu.dma_semaphore, #tpu.memory_space<semaphore_mem>> -> memref<1x1x!tpu.dma_semaphore, #tpu.memory_space<semaphore_mem>>
        %dma_start3A_97 = tpu.memref_squeeze %dma_start3A_96 : memref<1x1x!tpu.dma_semaphore, #tpu.memory_space<semaphore_mem>> -> memref<!tpu.dma_semaphore, #tpu.memory_space<semaphore_mem>>
        %dma_start3A_98 = tpu.memref_slice %arg9[%mul3A_85] : memref<8000xi32, #tpu.memory_space<vmem>> -> memref<4000xi32, #tpu.memory_space<vmem>>
        %dma_start3A_99 = tpu.memref_slice %arg4[%add3A_83] : memref<6400000xi32, #tpu.memory_space<hbm>> -> memref<4000xi32, #tpu.memory_space<hbm>>
        tpu.enqueue_dma source(%dma_start3A_99 : memref<4000xi32, #tpu.memory_space<hbm>>) target(%dma_start3A_98 : memref<4000xi32, #tpu.memory_space<vmem>>) target_semaphore(%dma_start3A_97 : memref<!tpu.dma_semaphore, #tpu.memory_space<semaphore_mem>>)
        %dma_start3A_100 = arith.constant 2 : i32
        %dma_start3A_101 = tpu.memref_slice %arg10[%mul3A_85] : memref<8000xf32, #tpu.memory_space<vmem>> -> memref<4000xf32, #tpu.memory_space<vmem>>
        %dma_start3A_102 = tpu.memref_slice %arg5[%add3A_83] : memref<6400000xf32, #tpu.memory_space<hbm>> -> memref<4000xf32, #tpu.memory_space<hbm>>
        %dma_start3A_103 = tpu.memref_slice %arg12[%sub3A_80, %dma_start3A_100] : memref<2x3x!tpu.dma_semaphore, #tpu.memory_space<semaphore_mem>> -> memref<1x1x!tpu.dma_semaphore, #tpu.memory_space<semaphore_mem>>
        %dma_start3A_104 = tpu.memref_squeeze %dma_start3A_103 : memref<1x1x!tpu.dma_semaphore, #tpu.memory_space<semaphore_mem>> -> memref<!tpu.dma_semaphore, #tpu.memory_space<semaphore_mem>>
        %dma_start3A_105 = tpu.memref_slice %arg10[%mul3A_85] : memref<8000xf32, #tpu.memory_space<vmem>> -> memref<4000xf32, #tpu.memory_space<vmem>>
        %dma_start3A_106 = tpu.memref_slice %arg5[%add3A_83] : memref<6400000xf32, #tpu.memory_space<hbm>> -> memref<4000xf32, #tpu.memory_space<hbm>>
        tpu.enqueue_dma source(%dma_start3A_106 : memref<4000xf32, #tpu.memory_space<hbm>>) target(%dma_start3A_105 : memref<4000xf32, #tpu.memory_space<vmem>>) target_semaphore(%dma_start3A_104 : memref<!tpu.dma_semaphore, #tpu.memory_space<semaphore_mem>>)
      } else {
      }
      %mul3A_47 = arith.constant 4000 : i32
      %mul3A_48 = arith.muli %scan3A_42, %mul3A_47 : i32
      %add3A_49 = arith.addi %mul3A_2, %mul3A_48 : i32
      %mul3A_50 = arith.constant 4000 : i32
      %mul3A_51 = arith.muli %and3A_44, %mul3A_50 : i32
      %dma_wait3A = arith.constant 0 : i32
      %dma_wait3A_52 = tpu.memref_slice %arg8[%mul3A_51] : memref<8000xi32, #tpu.memory_space<vmem>> -> memref<4000xi32, #tpu.memory_space<vmem>>
      %dma_wait3A_53 = tpu.memref_slice %arg3[%add3A_49] : memref<6400000xi32, #tpu.memory_space<hbm>> -> memref<4000xi32, #tpu.memory_space<hbm>>
      %dma_wait3A_54 = tpu.memref_slice %arg12[%and3A_44, %dma_wait3A] : memref<2x3x!tpu.dma_semaphore, #tpu.memory_space<semaphore_mem>> -> memref<1x1x!tpu.dma_semaphore, #tpu.memory_space<semaphore_mem>>
      %dma_wait3A_55 = tpu.memref_squeeze %dma_wait3A_54 : memref<1x1x!tpu.dma_semaphore, #tpu.memory_space<semaphore_mem>> -> memref<!tpu.dma_semaphore, #tpu.memory_space<semaphore_mem>>
      %dma_wait3A_56 = tpu.memref_slice %arg8[%mul3A_51] : memref<8000xi32, #tpu.memory_space<vmem>> -> memref<4000xi32, #tpu.memory_space<vmem>>
      %dma_wait3A_57 = tpu.memref_slice %arg3[%add3A_49] : memref<6400000xi32, #tpu.memory_space<hbm>> -> memref<4000xi32, #tpu.memory_space<hbm>>
      tpu.wait_dma2 semaphore(%dma_wait3A_55 : memref<!tpu.dma_semaphore, #tpu.memory_space<semaphore_mem>>) src(%dma_wait3A_57 : memref<4000xi32, #tpu.memory_space<hbm>>) dst(%dma_wait3A_56 : memref<4000xi32, #tpu.memory_space<vmem>>)
      %dma_wait3A_58 = arith.constant 1 : i32
      %dma_wait3A_59 = tpu.memref_slice %arg9[%mul3A_51] : memref<8000xi32, #tpu.memory_space<vmem>> -> memref<4000xi32, #tpu.memory_space<vmem>>
      %dma_wait3A_60 = tpu.memref_slice %arg4[%add3A_49] : memref<6400000xi32, #tpu.memory_space<hbm>> -> memref<4000xi32, #tpu.memory_space<hbm>>
      %dma_wait3A_61 = tpu.memref_slice %arg12[%and3A_44, %dma_wait3A_58] : memref<2x3x!tpu.dma_semaphore, #tpu.memory_space<semaphore_mem>> -> memref<1x1x!tpu.dma_semaphore, #tpu.memory_space<semaphore_mem>>
      %dma_wait3A_62 = tpu.memref_squeeze %dma_wait3A_61 : memref<1x1x!tpu.dma_semaphore, #tpu.memory_space<semaphore_mem>> -> memref<!tpu.dma_semaphore, #tpu.memory_space<semaphore_mem>>
      %dma_wait3A_63 = tpu.memref_slice %arg9[%mul3A_51] : memref<8000xi32, #tpu.memory_space<vmem>> -> memref<4000xi32, #tpu.memory_space<vmem>>
      %dma_wait3A_64 = tpu.memref_slice %arg4[%add3A_49] : memref<6400000xi32, #tpu.memory_space<hbm>> -> memref<4000xi32, #tpu.memory_space<hbm>>
      tpu.wait_dma2 semaphore(%dma_wait3A_62 : memref<!tpu.dma_semaphore, #tpu.memory_space<semaphore_mem>>) src(%dma_wait3A_64 : memref<4000xi32, #tpu.memory_space<hbm>>) dst(%dma_wait3A_63 : memref<4000xi32, #tpu.memory_space<vmem>>)
      %dma_wait3A_65 = arith.constant 2 : i32
      %dma_wait3A_66 = tpu.memref_slice %arg10[%mul3A_51] : memref<8000xf32, #tpu.memory_space<vmem>> -> memref<4000xf32, #tpu.memory_space<vmem>>
      %dma_wait3A_67 = tpu.memref_slice %arg5[%add3A_49] : memref<6400000xf32, #tpu.memory_space<hbm>> -> memref<4000xf32, #tpu.memory_space<hbm>>
      %dma_wait3A_68 = tpu.memref_slice %arg12[%and3A_44, %dma_wait3A_65] : memref<2x3x!tpu.dma_semaphore, #tpu.memory_space<semaphore_mem>> -> memref<1x1x!tpu.dma_semaphore, #tpu.memory_space<semaphore_mem>>
      %dma_wait3A_69 = tpu.memref_squeeze %dma_wait3A_68 : memref<1x1x!tpu.dma_semaphore, #tpu.memory_space<semaphore_mem>> -> memref<!tpu.dma_semaphore, #tpu.memory_space<semaphore_mem>>
      %dma_wait3A_70 = tpu.memref_slice %arg10[%mul3A_51] : memref<8000xf32, #tpu.memory_space<vmem>> -> memref<4000xf32, #tpu.memory_space<vmem>>
      %dma_wait3A_71 = tpu.memref_slice %arg5[%add3A_49] : memref<6400000xf32, #tpu.memory_space<hbm>> -> memref<4000xf32, #tpu.memory_space<hbm>>
      tpu.wait_dma2 semaphore(%dma_wait3A_69 : memref<!tpu.dma_semaphore, #tpu.memory_space<semaphore_mem>>) src(%dma_wait3A_71 : memref<4000xf32, #tpu.memory_space<hbm>>) dst(%dma_wait3A_70 : memref<4000xf32, #tpu.memory_space<vmem>>)
      %mul3A_72 = arith.constant 4000 : i32
      %mul3A_73 = arith.muli %and3A_44, %mul3A_72 : i32
      %parallel_loop3A_74 = arith.constant 0 : i32
      %parallel_loop3A_75 = arith.constant 250 : i32
      %parallel_loop3A_76 = arith.constant 1 : i32
      scf.for %parallel_loop3A_78 = %parallel_loop3A_74 to %parallel_loop3A_75 step %parallel_loop3A_76  : i32 {
        %parallel_loop3A_79 = arith.constant 16 : i32
        %parallel_loop3A_80 = arith.muli %parallel_loop3A_78, %parallel_loop3A_79 : i32
        %parallel_loop3A_81 = arith.addi %mul3A_73, %parallel_loop3A_80 : i32
        %parallel_loop3A_82 = arith.index_cast %parallel_loop3A_81 : i32 to index
        %parallel_loop3A_83 = tpu.vector_load %arg8[%parallel_loop3A_82] {strides = array<i32>} : memref<8000xi32, #tpu.memory_space<vmem>>, vector<16xi32>,
        %parallel_loop3A_84 = arith.index_cast %parallel_loop3A_81 : i32 to index
        %parallel_loop3A_85 = tpu.vector_load %arg9[%parallel_loop3A_84] {strides = array<i32>} : memref<8000xi32, #tpu.memory_space<vmem>>, vector<16xi32>,
        %parallel_loop3A_86 = arith.index_cast %parallel_loop3A_81 : i32 to index
        %parallel_loop3A_87 = tpu.vector_load %arg10[%parallel_loop3A_86] {strides = array<i32>} : memref<8000xf32, #tpu.memory_space<vmem>>, vector<16xf32>,
        %parallel_loop3A_88 = tpu.vector_load_idx %arg7[%parallel_loop3A_83] : memref<100000xi32, #tpu.memory_space<vmem>>[vector<16xi32>], vector<16xi32>,
        %parallel_loop3A_89 = tpu.vector_load_idx %arg7[%parallel_loop3A_85] : memref<100000xi32, #tpu.memory_space<vmem>>[vector<16xi32>], vector<16xi32>,
        %parallel_loop3A_90 = arith.constant 1023 : i32
        %parallel_loop3A_91 = vector.broadcast %parallel_loop3A_90 : i32 to vector<16xi32>
        %parallel_loop3A_92 = arith.andi %parallel_loop3A_88, %parallel_loop3A_91 : vector<16xi32>
        %parallel_loop3A_93 = vector.bitcast %parallel_loop3A_88 : vector<16xi32> to vector<16xf32>
        %parallel_loop3A_94 = vector.bitcast %parallel_loop3A_89 : vector<16xi32> to vector<16xf32>
        %parallel_loop3A_95 = arith.mulf %parallel_loop3A_87, %parallel_loop3A_87 : vector<16xf32>
        %parallel_loop3A_96 = arith.constant 2.500000e+01 : f32
        %parallel_loop3A_97 = vector.broadcast %parallel_loop3A_96 : f32 to vector<16xf32>
        %parallel_loop3A_98 = arith.minimumf %parallel_loop3A_95, %parallel_loop3A_97 : vector<16xf32>
        %parallel_loop3A_99 = arith.constant 1.55020348E-6 : f32
        %parallel_loop3A_100 = vector.broadcast %parallel_loop3A_99 : f32 to vector<16xf32>
        %parallel_loop3A_101 = arith.mulf %parallel_loop3A_100, %parallel_loop3A_98 : vector<16xf32>
        %parallel_loop3A_102 = arith.constant -2.91708828E-4 : f32
        %parallel_loop3A_103 = vector.broadcast %parallel_loop3A_102 : f32 to vector<16xf32>
        %parallel_loop3A_104 = arith.addf %parallel_loop3A_101, %parallel_loop3A_103 : vector<16xf32>
        %parallel_loop3A_105 = arith.mulf %parallel_loop3A_104, %parallel_loop3A_98 : vector<16xf32>
        %parallel_loop3A_106 = arith.constant 0.023198491 : f32
        %parallel_loop3A_107 = vector.broadcast %parallel_loop3A_106 : f32 to vector<16xf32>
        %parallel_loop3A_108 = arith.addf %parallel_loop3A_105, %parallel_loop3A_107 : vector<16xf32>
        %parallel_loop3A_109 = arith.mulf %parallel_loop3A_108, %parallel_loop3A_98 : vector<16xf32>
        %parallel_loop3A_110 = arith.constant -0.709836364 : f32
        %parallel_loop3A_111 = vector.broadcast %parallel_loop3A_110 : f32 to vector<16xf32>
        %parallel_loop3A_112 = arith.addf %parallel_loop3A_109, %parallel_loop3A_111 : vector<16xf32>
        %parallel_loop3A_113 = arith.mulf %parallel_loop3A_112, %parallel_loop3A_98 : vector<16xf32>
        %parallel_loop3A_114 = arith.constant 7.19925451 : f32
        %parallel_loop3A_115 = vector.broadcast %parallel_loop3A_114 : f32 to vector<16xf32>
        %parallel_loop3A_116 = arith.addf %parallel_loop3A_113, %parallel_loop3A_115 : vector<16xf32>
        %parallel_loop3A_117 = arith.mulf %parallel_loop3A_93, %parallel_loop3A_94 : vector<16xf32>
        %parallel_loop3A_118 = arith.divf %parallel_loop3A_116, %parallel_loop3A_87 : vector<16xf32>
        %parallel_loop3A_119 = arith.mulf %parallel_loop3A_117, %parallel_loop3A_118 : vector<16xf32>
        tpu.vector_store_idx %arg11[%parallel_loop3A_92], %parallel_loop3A_119 {add = true} : memref<1024xf32, #tpu.memory_space<vmem>>[vector<16xi32>], vector<16xf32>,
      } {sc.loop_unroll_factor = 10 : i64, sc.parallel_access}
      %scan3A_77 = arith.constant 0 : i32
      scf.yield %scan3A_77 : i32
    }
    %scan3A_41 = arith.constant 50 : i32
    "tpu.region"() ({
      %run_scoped3A = tpu.sem_alloc : memref<!tpu.dma_semaphore, #tpu.memory_space<semaphore_mem>>
      %dma_start3A_42 = arith.constant 0 : i32
      %dma_start3A_43 = tpu.memref_slice %arg6[%add3A, %dma_start3A_42] : memref<32x1024xf32, #tpu.memory_space<hbm>> -> memref<1x1024xf32, #tpu.memory_space<hbm>>
      %dma_start3A_44 = tpu.memref_squeeze %dma_start3A_43 : memref<1x1024xf32, #tpu.memory_space<hbm>> -> memref<1024xf32, #tpu.memory_space<hbm>>
      %dma_start3A_45 = arith.constant 0 : i32
      %dma_start3A_46 = tpu.memref_slice %arg6[%add3A, %dma_start3A_45] : memref<32x1024xf32, #tpu.memory_space<hbm>> -> memref<1x1024xf32, #tpu.memory_space<hbm>>
      %dma_start3A_47 = tpu.memref_squeeze %dma_start3A_46 : memref<1x1024xf32, #tpu.memory_space<hbm>> -> memref<1024xf32, #tpu.memory_space<hbm>>
      tpu.enqueue_dma source(%arg11 : memref<1024xf32, #tpu.memory_space<vmem>>) target(%dma_start3A_47 : memref<1024xf32, #tpu.memory_space<hbm>>) target_semaphore(%run_scoped3A : memref<!tpu.dma_semaphore, #tpu.memory_space<semaphore_mem>>)
      %dma_wait3A = arith.constant 0 : i32
      %dma_wait3A_48 = tpu.memref_slice %arg6[%add3A, %dma_wait3A] : memref<32x1024xf32, #tpu.memory_space<hbm>> -> memref<1x1024xf32, #tpu.memory_space<hbm>>
      %dma_wait3A_49 = tpu.memref_squeeze %dma_wait3A_48 : memref<1x1024xf32, #tpu.memory_space<hbm>> -> memref<1024xf32, #tpu.memory_space<hbm>>
      %dma_wait3A_50 = arith.constant 0 : i32
      %dma_wait3A_51 = tpu.memref_slice %arg6[%add3A, %dma_wait3A_50] : memref<32x1024xf32, #tpu.memory_space<hbm>> -> memref<1x1024xf32, #tpu.memory_space<hbm>>
      %dma_wait3A_52 = tpu.memref_squeeze %dma_wait3A_51 : memref<1x1024xf32, #tpu.memory_space<hbm>> -> memref<1024xf32, #tpu.memory_space<hbm>>
      tpu.wait_dma2 semaphore(%run_scoped3A : memref<!tpu.dma_semaphore, #tpu.memory_space<semaphore_mem>>) src(%arg11 : memref<1024xf32, #tpu.memory_space<vmem>>) dst(%dma_wait3A_52 : memref<1024xf32, #tpu.memory_space<hbm>>)
      tpu.yield
    }) : () -> ()
    return
  }
}

module attributes {stable_mosaic.version = 14 : i64} {
  func.func @_tc_reduce_body(%arg0: memref<32x1024xf32, #tpu.memory_space<vmem>>, %arg1: memref<1x1024xf32, #tpu.memory_space<vmem>>) attributes {dimension_semantics = [], scalar_prefetch = 0 : i64, scratch_operands = 0 : i64, tpu.core_type = #tpu.core_type<tc>} {
    %get3A = arith.constant 0 : index
    %get3A_0 = arith.constant 0 : index
    %get3A_1 = vector.load %arg0[%get3A, %get3A_0] : memref<32x1024xf32, #tpu.memory_space<vmem>>, vector<32x1024xf32>
    %reduce_sum3A = arith.constant dense<0.000000e+00> : vector<1024xf32>
    %reduce_sum3A_2 = vector.multi_reduction <add>, %get3A_1, %reduce_sum3A [0] : vector<32x1024xf32> to vector<1024xf32>
    %broadcast_in_dim3A = vector.shape_cast %reduce_sum3A_2 : vector<1024xf32> to vector<1x1024xf32>
    %swap3A = arith.constant 0 : index
    %swap3A_3 = arith.constant 0 : index
    %swap3A_4 = vector.load %arg1[%swap3A, %swap3A_3] : memref<1x1024xf32, #tpu.memory_space<vmem>>, vector<1x1024xf32>
    tpu.vector_store %arg1[%swap3A, %swap3A_3], %broadcast_in_dim3A {strides = array<i32>} : memref<1x1024xf32, #tpu.memory_space<vmem>>, vector<1x1024xf32>,
    return
  }
}

</mosaic_0001>

<sc_bundles>
// kernel: kernel.4.cloned.1.call-start
scs
__scs_entry_jumppad:
0x0: {  	(pc) =	sbr.rel $0x88, $3  }
0x1: {  	(tag) =	ssettag $0x0;
	lr =	simm.s32 $0x1  }
0x2: {  	[smem:$0x3F9C] =	sst lr;
	_ =	strace $0xD0000000  }
0x3: {  	_ = 	snop  }
0x4: {  	_ = 	snop  }
0x5: {  	_ = 	snop  }
0x6: {  	_ = 	snop  }
0x7: {  	_ = 	snop  }
__scs_overlays_trampoline_lowered:
0x8: {  	[smem:$0x3FAB] =	sst s0  }
0x9: {  	[smem:$0x3FAC] =	sst s1  }
0xa: {  	[smem:$0x3FAD] =	sst s2  }
0xb: {  	[smem:$0x3FAE] =	sst s3  }
0xc: {  	[smem:$0x3FAF] =	sst s4  }
0xd: {  	[smem:$0x3FB0] =	sst s5  }
0xe: {  	[smem:$0x3FB1] =	sst s6  }
0xf: {  	[smem:$0x3FB2] =	sst s7  }
0x10: {  	[smem:$0x3FB3] =	sst s8  }
0x11: {  	[smem:$0x3FB4] =	sst s9;
	s0 =	simm.s32 @!p0 $0x0  }
0x12: {  	s1 =	sld [smem:$0x3F9A];
	s0 =	simm.s32 @p0 $0x1  }
0x13: {  	[smem:$0x3FB5] =	sst s0;
	s0 =	simm.s32 @!p1 $0x0  }
0x14: {  	s2 =	sld [smem:$0x3F99];
	s0 =	simm.s32 @p1 $0x1  }
0x15: {  	[smem:$0x3FB6] =	sst s0;
	s0 =	simm.s32 @!p2 $0x0  }
0x16: {  	s3 =	sld [smem:$0x3FDB];
	s0 =	simm.s32 @p2 $0x1  }
0x17: {  	s4 =	simm.s32 $0x1BF5;
	[smem:$0x3FB8] =	sst s0  }
0x18: {  	s0 =	sld [smem:$0x3F9B];
	_ =	swait.ge [sflag:s4], $0x0  }
0x19: {  	s7 =	sld [smem:$0x3F9C]  }
0x1a: {  	s8 =	sadd.s32 $0xFFFFE003, lr  }
0x1b: {  	s9 =	sadd.s32 $0xFFFFFEF7, lr;
	s5 =	simm.s32 $0xFFFFFFFF;
	p2 =	slt.u32 s8, $0xFFFFF086  }
0x1c: {  	p1 =	slt.u32 s9, $0xF7A;
	s5 =	simm.s32 @!p2 $0x0  }
0x1d: {  	s5 =	simm.s32 @p1 $0x1;
	p0 =	seq.s32 s7, s2  }
0x1e: {  	s7 =	smul.u32 @!p0 $0xF7A, s2;
	p2 =	seq.s32 @!p0 s5, $0x0  }
0x1f: {  	s9 =	smul.u32 $0xF7A, s1;
	s8 =	simm.s32 @!p0 $0x1BF5;
	p2 =	por !p2, p0  }
0x20: {  	[sflag:s8] =	ssyncset.s32 @!p0 $0xFFFFF086;
	s6 =	sadd.s32 @!p0 s3, s7;
	s7 =	simm.s32 @!p0 $0x108  }
0x21: {  	s3 =	sadd.s32 s3, s9;
	s6 =	sadd.s32 @!p0 $0x88, s6;
	s7 =	simm.s32 @p2 $0x1082  }
0x22: {  	[simem:s7], [sflag:s8] =	dma.local @!p0 [hbm:s6], $0xF7A  }
0x23: {  	s9 =	sor.u32 $0xD0000000, s2;
	s6 =	simm.s32 $0x108;
	_ =	swait.ge @!p0 [sflag:s8], $0x0  }
0x24: {  	s3 =	sadd.s32 $0x88, s3;
	s6 =	simm.s32 @!p1 $0x1082;
	[sflag:s4] =	ssyncset.s32 $0xFFFFF086  }
0x25: {  	[simem:s6], [sflag:s4] =	dma.local [hbm:s3], $0xF7A  }
0x26: {  	[smem:$0x3F9C] =	sst s1;
	(tag) =	ssettag s2;
	_ =	strace s9  }
0x27: {  	s1 =	sld [smem:$0x3FAC]  }
0x28: {  	s2 =	sld [smem:$0x3FAD]  }
0x29: {  	s4 =	sld [smem:$0x3FAF]  }
0x2a: {  	p0 =	seq.s32 s5, $0x0;
	s5 =	sld [smem:$0x3FB0]  }
0x2b: {  	s6 =	sld [smem:$0x3FB1]  }
0x2c: {  	s7 =	sld [smem:$0x3FB2]  }
0x2d: {  	s3 =	simm.s32 $0x108;
	s8 =	sld [smem:$0x3FB3]  }
0x2e: {  	s3 =	simm.s32 @!p0 $0x1082;
	s9 =	sld [smem:$0x3FB4]  }
0x2f: {  	lr =	sadd.s32 s0, s3;
	s0 =	sld [smem:$0x3FAB]  }
0x30: {  	s3 =	sld [smem:$0x3FAE]  }
0x31: {  	[smem:$0x3FB7] =	sst s10  }
0x32: {  	s10 =	sld [smem:$0x3FB5];
	_ =	sdelay $0x3  }
0x33: {  	p0 =	seq.s32 s10, $0x1;
	s10 =	sld [smem:$0x3FB7];
	_ =	sdelay $0x3  }
0x34: {  	[smem:$0x3FB7] =	sst s10  }
0x35: {  	s10 =	sld [smem:$0x3FB6];
	_ =	sdelay $0x3  }
0x36: {  	p1 =	seq.s32 s10, $0x1;
	s10 =	sld [smem:$0x3FB7];
	_ =	sdelay $0x3  }
0x37: {  	[smem:$0x3FB7] =	sst s10  }
0x38: {  	s10 =	sld [smem:$0x3FB8]  }
0x39: {  	_ = 	snop;
	(pc) =	sbr.ind lr, $3  }
0x3a: {  	_ = 	snop  }
0x3b: {  	_ = 	snop  }
0x3c: {  	p2 =	seq.s32 s10, $0x1;
	s10 =	sld [smem:$0x3FB7]  }
0x3d: {  	_ =	shalt  }
0x3e: {  	_ =	shalt  }
0x3f: {  	_ =	shalt  }
0x40: {  	_ =	shalt  }
0x41: {  	_ =	shalt  }
0x42: {  	_ =	shalt  }
0x43: {  	_ =	shalt  }
0x44: {  	_ =	shalt  }
0x45: {  	_ =	shalt  }
0x46: {  	_ =	shalt  }
0x47: {  	_ =	shalt  }
0x48: {  	_ =	shalt  }
0x49: {  	_ =	shalt  }
0x4a: {  	_ =	shalt  }
0x4b: {  	_ =	shalt  }
0x4c: {  	_ =	shalt  }
0x4d: {  	_ =	shalt  }
0x4e: {  	_ =	shalt  }
0x4f: {  	_ =	shalt  }
0x50: {  	_ =	shalt  }
0x51: {  	_ =	shalt  }
0x52: {  	_ =	shalt  }
0x53: {  	_ =	shalt  }
0x54: {  	_ =	shalt  }
0x55: {  	_ =	shalt  }
0x56: {  	_ =	shalt  }
0x57: {  	_ =	shalt  }
0x58: {  	_ =	shalt  }
0x59: {  	_ =	shalt  }
0x5a: {  	_ =	shalt  }
0x5b: {  	_ =	shalt  }
0x5c: {  	_ =	shalt  }
0x5d: {  	_ =	shalt  }
0x5e: {  	_ =	shalt  }
0x5f: {  	_ =	shalt  }
0x60: {  	_ =	shalt  }
0x61: {  	_ =	shalt  }
0x62: {  	_ =	shalt  }
0x63: {  	_ =	shalt  }
0x64: {  	_ =	shalt  }
0x65: {  	_ =	shalt  }
0x66: {  	_ =	shalt  }
0x67: {  	_ =	shalt  }
0x68: {  	_ =	shalt  }
0x69: {  	_ =	shalt  }
0x6a: {  	_ =	shalt  }
0x6b: {  	_ =	shalt  }
0x6c: {  	_ =	shalt  }
0x6d: {  	_ =	shalt  }
0x6e: {  	_ =	shalt  }
0x6f: {  	_ =	shalt  }
0x70: {  	_ =	shalt  }
0x71: {  	_ =	shalt  }
0x72: {  	_ =	shalt  }
0x73: {  	_ =	shalt  }
0x74: {  	_ =	shalt  }
0x75: {  	_ =	shalt  }
0x76: {  	_ =	shalt  }
0x77: {  	_ =	shalt  }
0x78: {  	_ =	shalt  }
0x79: {  	_ =	shalt  }
0x7a: {  	_ =	shalt  }
0x7b: {  	_ =	shalt  }
0x7c: {  	_ =	shalt  }
0x7d: {  	_ =	shalt  }
0x7e: {  	_ =	shalt  }
0x7f: {  	_ =	shalt  }
0x80: {  	_ =	shalt  }
0x81: {  	_ =	shalt  }
0x82: {  	_ =	shalt  }
0x83: {  	_ =	shalt  }
0x84: {  	_ =	shalt  }
0x85: {  	_ =	shalt  }
0x86: {  	_ =	shalt  }
0x87: {  	_ =	shalt  }
.Lfunc_end0:
.L_simem_size_0:
called_computation_lowered:
.L_overlay_start_0:
0x88: {  	s2 =	sld [smem:$0x3FD9]  }
0x89: {  	s3 =	sld [smem:$0x3FFE];
	_ =	sdelay $0x1  }
0x8a: {  	s1 =	srdreg.scid  }
0x8b: {  	s0 =	sand.u32 $0x1, s1  }
0x8c: {  	s17 =	sshll.u32 s0, $0xA;
	s2 =	sadd.s32 s3, s2  }
0x8d: {  	s2 =	sadd.s32 s2, s17  }
0x8e: {  	[smem:$0x3FC3] =	sst s2  }
0x8f: {  	_ = 	snop  }
0x90: {  	s2 =	sld [smem:$0x3FC8]  }
0x91: {  	s18 =	sld [smem:$0x3FC7]  }
0x92: {  	s4 =	sld [smem:$0x3FC6];
	(tm) =	ssettm $0x1  }
0x93: {  	s5 =	sld [smem:$0x3FFB];
	_ =	sdelay $0x3  }
0x94: {  	_ =	strace s5  }
0x95: {  	s5 =	sld [smem:$0x3FFC];
	_ =	sdelay $0x3  }
0x96: {  	_ =	strace s5  }
0x97: {  	s5 =	sld [smem:$0x3FFD];
	_ =	sdelay $0x3  }
0x98: {  	_ =	strace s5  }
0x99: {  	_ =	strace $0x8FFFFFFF  }
0x9a: {  	s19 =	sld [smem:$0x3FDB];
	_ =	sdelay $0x1  }
0x9b: {  	s6 =	simm.s32 $_scs_section_size  }
0x9c: {  	s7 =	simm.s32 $_size__tile_overlayer_lowered;
	s8 =	simm.s32 $_tile_overlayer_lowered  }
0x9d: {  	s22 =	simm.s32 $0x1BFF;
	s21 =	sshll.u32 s8, $0x1;
	s5 =	sadd.s32 s6, s19  }
0x9e: {  	s9 =	simm.s32 $0x0;
	s20 =	sshll.u32 s7, $0x1;
	s7 =	sadd.s32 s21, s5  }
0x9f: {  	[timem:s9], [sflag:s22] =	dma.local [hbm:s7], s20  }
0xa0: {  	_ =	swait.ge [sflag:s22], s20  }
0xa1: {  	s6 =	ssub.s32 $0x0, s20;
	[sflag:s22] =	ssyncset.done $0x0  }
0xa2: {  	[sflag:s22] =	ssyncadd.s32 s6;
	_ =	sdelay $0x1  }
0xa3: {  	s23 =	simm.s32 $0x1B8B  }
0xa4: {  	_ =	swait.ge [sflag:s23], $0x1  }
0xa5: {  	[sflag:s23] =	ssyncset.done $0x0  }
0xa6: {  	s25 =	simm.s32 $0x1B8E;
	s24 =	sld [smem:$0x3FFE];
	[sflag:s23] =	ssyncadd.s32 $0xFFFFFFFF  }
0xa7: {  	s26 =	simm.s32 $execute0_lowered;
	[smem:$0x3FD2] =	sst s25  }
0xa8: {  	s7 =	sshll.u32 s26, $0x1;
	_ =	strace $0x80000046;
	[dreg:$0x1] =	wrdreg $0xFFFFFFFF  }
0xa9: {  	s28 =	simm.s32 $_size_execute0_lowered;
	s5 =	sadd.s32 s5, s7;
	[dreg:$0x0] =	wrdreg $0x0  }
0xaa: {  	s7 =	sshll.u32 s28, $0x1;
	[dreg:$0x2] =	wrdreg s5  }
0xab: {  	[dreg:$0x3] =	wrdreg s7  }
0xac: {  	[dreg:$0x4] =	wrdreg $0xC0  }
0xad: {  	_ =	task [dreg:s9], $0x5FFFF  }
0xae: {  	[dreg:$0x1] =	wrdreg $0xFFFFFFFF  }
0xaf: {  	[dreg:$0x0] =	wrdreg $0x60  }
0xb0: {  	[dreg:$0x2] =	wrdreg s24  }
0xb1: {  	[dreg:$0x3] =	wrdreg s18  }
0xb2: {  	[dreg:$0x4] =	wrdreg s4  }
0xb3: {  	[dreg:$0x5] =	wrdreg s2  }
0xb4: {  	[dreg:$0x6] =	wrdreg $0x9  }
0xb5: {  	_ =	task.clear_ibuf [dreg:s9], $0x7FFFF;
	_ =	strace $0x90000046  }
0xb6: {  	s29 =	simm.s32 $0x9;
	_ =	strace $0x80000048  }
0xb7: {  	_ =	swait.ge [sflag:s29], $0x1  }
0xb8: {  	[sflag:s29] =	ssyncadd.s32 $0xFFFFFFFF  }
0xb9: {  	_ =	strace $0x90000048  }
0xba: {  	_ =	sfence  }
0xbb: {  	s30 =	sld [smem:$0x0];
	_ =	sdelay $0x2  }
0xbc: {  	s31 =	sshll.u32 s1, $0xD;
	s1 =	sshrl.u32 s1, $0x2  }
0xbd: {  	s3 =	sand.u32 $0x4000, s31;
	s1 =	sadd.s32 s1, s30  }
0xbe: {  	s0 =	sor.u32 s3, s0;
	s1 =	sshll.u32 s1, $0x11  }
0xbf: {  	s0 =	sor.u32 s1, s0  }
0xc0: {  	s0 =	sadd.s32 $0x8F2B, s0  }
0xc1: {  	[sflag:s0] =	ssyncadd.remote.s32 $0x1  }
0xc2: {  	_ =	sfence.sel $0xFFFF  }
0xc3: {  	[dreg:$0x0] =	wrdreg $0xFFFFFFFF;
	(pc) =	sbr.abs _section_cstart, $3  }
0xc4: {  	[dreg:$0x1] =	wrdreg $0xFFFFFFFF  }
0xc5: {  	_ =	task.clear_ibuf [dreg:s9], $0x2FFFF;
	_ =	strace $0x9FFFFFFF  }
0xc6: {  	(tm) =	ssettm $0x7FFFFFFF  }
0xc7: {  	_ =	shalt  }
tec
execute0_lowered:
.L_overlay_start_1:
0x0: {  	(tag) =	ssettag $0x1  }
0x1: {  	s7 =	rddreg [dreg:$0x0]  }
0x2: {  	s1 =	rddreg [dreg:$0x1]  }
0x3: {  	s2 =	rddreg [dreg:$0x2]  }
0x4: {  	s3 =	rddreg [dreg:$0x3]  }
0x5: {  	s4 =	srdreg.scid;
	s0 =	rddreg [dreg:$0x4];
	s5 =	simm.s32 $0x0  }
0x6: {  	s14 =	simm.s32 $0x1A680;
	s15 =	simm.s32 $0x1C600;
	s16 =	simm.s32 $0x7  }
0x7: {  	s17 =	simm.s32 $0x1E580;
	s18 =	simm.s32 $0x80;
	s19 =	simm.s32 $0x400  }
0x8: {  	s20 =	simm.s32 $0x8;
	s21 =	simm.s32 $0x0;
	s8 =	sand.u32 $0x1, s4  }
0x9: {  	s4 =	stileid.u32;
	[smem:$0x7FF] =	sst s5;
	s6 =	sshll.u32 s8, $0x4  }
0xa: {  	s9 =	sshll.u32 s4, $0x4;
	_ =	strace $0x80000047;
	s30 =	ssub.s32 $0x2, s8  }
0xb: {  	s10 =	sor.u32 s4, s6;
	s9 =	sand.u32 $0x70, s9;
	s6 =	sadd.s32 $0x200, s7  }
0xc: {  	s8 =	sshrl.u32 s30, $0x1;
	s11 =	smul.u32 $0x30D40, s10;
	s10 =	sshll.u32 s10, $0x7  }
0xd: {  	s12 =	sadd.s32 s9, s7;
	s13 =	ssub.s32 s30, s8;
	s10 =	sand.u32 $0xC00, s10  }
0xe: {  	s31 =	sshrl.u32 s11, $0x3;
	s12 =	sadd.s32 s10, s12;
	s10 =	sadd.s32 $0xFA0, s11  }
0xf: {  	s7 =	sadd.s32 s1, s31;
	s8 =	sadd.s32 s2, s31;
	s9 =	sadd.s32 s3, s31  }
0x10: {  	v0 =	vimm.f32 $0.0e+00;
	s11 =	sadd.s32 $0x3400, s12;
	s12 =	smax.u32 s13, $0x1;
	s13 =	simm.s32 $0x18700  }
.LBB2_1:
0x11: {  	[tilespmem:s5], [sflag:$0x7] =	stream.linear.gather [hbm4b:s6+s5], $0x18700, $0x38;
	[tilespmem:$0x1E980] =	vst v63  }
0x12: {  	_ = 	snop  }
0x13: {  	[tilespmem:s13], [sflag:$0x1] =	stream.linear.gather [hbm4b:s7+s5], $0xFA0, $0x38;
	[tilespmem:$0x1E980] =	vst v63  }
0x14: {  	_ = 	snop  }
0x15: {  	[tilespmem:s14], [sflag:$0x2] =	stream.linear.gather [hbm4b:s8+s5], $0xFA0, $0x38;
	[tilespmem:$0x1E980] =	vst v63  }
0x16: {  	s22 =	simm.s32 $0x1E5C0  }
0x17: {  	[tilespmem:s15], [sflag:$0x3] =	stream.linear.gather [hbm4b:s9+s5], $0xFA0, $0x38;
	[tilespmem:$0x1E980] =	vst v63  }
0x18: {  	[tilespmem:s22+$0xFFFFFFC0] =	vst v0  }
0x19: {  	[tilespmem:s22+$0x30] =	vst v0  }
0x1a: {  	[tilespmem:s22+$0x20] =	vst v0  }
0x1b: {  	[tilespmem:s22+$0x10] =	vst v0  }
0x1c: {  	[tilespmem:s22+$0x0] =	vst v0  }
0x1d: {  	[tilespmem:s22+$0xFFFFFFF0] =	vst v0  }
0x1e: {  	s23 =	simm.s32 $0x0;
	[tilespmem:s22+$0xFFFFFFE0] =	vst v0  }
.LBB2_2:
0x1f: {  	s23 =	sadd.s32 $0x8, s23;
	[tilespmem:s22+$0xFFFFFFD0] =	vst v0;
	s22 =	sadd.s32 $0x80, s22  }
0x20: {  	[tilespmem:s22+$0xFFFFFFC0] =	vst v0;
	p0 =	slt.u32 s23, $0x38  }
0x21: {  	[tilespmem:s22+$0x30] =	vst v0  }
.Ltmp0:
0x22: {  	[tilespmem:s22+$0x20] =	vst v0;
	(pc) =	sbr.rel @p0 .LBB2_2-.Ltmp0, $4  }
0x23: {  	[tilespmem:s22+$0x10] =	vst v0  }
0x24: {  	[tilespmem:s22+$0x0] =	vst v0  }
0x25: {  	[tilespmem:s22+$0xFFFFFFF0] =	vst v0  }
0x26: {  	[tilespmem:s22+$0xFFFFFFE0] =	vst v0  }
0x27: {  	[tilespmem:s22+$0xFFFFFFD0] =	vst v0  }
0x28: {  	_ =	swait.ge [sflag:s16], $0x18700  }
0x29: {  	[sflag:s16] =	ssyncset.done $0x0  }
0x2a: {  	s22 =	simm.s32 $0x0;
	p0 =	por $0x0, $0x0;
	[sflag:s16] =	ssyncadd.s32 $0xFFFE7900  }
.LBB2_4:
0x2b: {  	s23 =	sand.u32 $0x1, s22;
	p1 =	seq.s32 s22, $0x31  }
0x2c: {  	s24 =	sxor.u32 @!p1 $0x1, s23;
	s26 =	smul.u32 @!p1 $0xFA0, s22  }
0x2d: {  	s25 =	smul.u32 @!p1 $0xFA0, s24  }
0x2e: {  	s24 =	smul.u32 @!p1 $0xC, s24  }
0x2f: {  	s31 =	simm.s32 @!p1 $0x0;
	s26 =	sadd.s32 @!p1 s26, s10  }
0x30: {  	s23 =	smul.u32 $0xC, s23;
	s24 =	sshrl.u32 @!p1 s24, $0x2;
	s26 =	sshrl.u32 @!p1 s26, $0x3  }
0x31: {  	s28 =	sadd.s32 @!p1 $0x18700, s25;
	s29 =	sadd.s32 @!p1 $0x1, s24;
	s30 =	sadd.s32 @!p1 s1, s26  }
0x32: {  	[tilespmem:s28], [sflag:s29] =	stream.linear.gather @!p1 [hbm4b:s30+s31], $0xFA0, $0x38;
	[tilespmem:$0x1E980] =	vst v63  }
0x33: {  	s23 =	sshrl.u32 s23, $0x2;
	s28 =	sadd.s32 @!p1 $0x1A680, s25  }
0x34: {  	s29 =	sadd.s32 @!p1 $0x2, s24;
	s30 =	sadd.s32 @!p1 s2, s26;
	s25 =	sadd.s32 @!p1 $0x1C600, s25  }
0x35: {  	[tilespmem:s28], [sflag:s29] =	stream.linear.gather @!p1 [hbm4b:s30+s31], $0xFA0, $0x38;
	[tilespmem:$0x1E980] =	vst v63  }
0x36: {  	s24 =	sadd.s32 @!p1 $0x3, s24;
	s26 =	sadd.s32 @!p1 s3, s26;
	s28 =	sadd.s32 $0x1, s23  }
0x37: {  	[tilespmem:s25], [sflag:s24] =	stream.linear.gather @!p1 [hbm4b:s26+s31], $0xFA0, $0x38;
	[tilespmem:$0x1E980] =	vst v63  }
0x38: {  	_ =	swait.ge [sflag:s28], $0xFA0  }
0x39: {  	[sflag:s28] =	ssyncset.done $0x0  }
0x3a: {  	s29 =	sadd.s32 $0x2, s23;
	[sflag:s28] =	ssyncadd.s32 $0xFFFFF060  }
0x3b: {  	s25 =	simm.s32 $0x1;
	_ =	swait.ge [sflag:s29], $0xFA0  }
0x3c: {  	s25 =	simm.s32 @!p0 $0x0;
	[sflag:s29] =	ssyncset.done $0x0  }
0x3d: {  	s23 =	sadd.s32 $0x3, s23;
	s25 =	smul.u32 $0x3E80, s25;
	[sflag:s29] =	ssyncadd.s32 $0xFFFFF060  }
0x3e: {  	_ =	swait.ge [sflag:s23], $0xFA0  }
0x3f: {  	s30 =	sshrl.u32 s25, $0x2;
	[sflag:s23] =	ssyncset.done $0x0  }
0x40: {  	s31 =	sadd.s32 $0x1C650, s30;
	[sflag:s23] =	ssyncadd.s32 $0xFFFFF060  }
0x41: {  	v1 =	vld [tilespmem:s31+$0x40]  }
0x42: {  	v2 =	vld [tilespmem:s31+$0xFFFFFFB0]  }
0x43: {  	v3 =	vld [tilespmem:s31+$0xFFFFFFC0]  }
0x44: {  	v4 =	vld [tilespmem:s31+$0xFFFFFFD0]  }
0x45: {  	v5 =	vld [tilespmem:s31+$0xFFFFFFE0]  }
0x46: {  	v6 =	vld [tilespmem:s31+$0xFFFFFFF0]  }
0x47: {  	v9 =	vld [tilespmem:s31+$0x0]  }
0x48: {  	v10 =	vld [tilespmem:s31+$0x10]  }
0x49: {  	v60 =	vld [tilespmem:s31+$0x20]  }
0x4a: {  	v19 =	vld [tilespmem:s31+$0x30];
	v7 =	vmul.f32 v1, v1;
	v8 =	vmul.f32 v2, v2  }
0x4b: {  	s23 =	sadd.s32 $0x18750, s30;
	(erf) = vrcp.f32 v2;
	v2 =	vmul.f32 v3, v3  }
0x4c: {  	s24 =	sadd.s32 $0x1A6D0, s30;
	v14 =	vld [tilespmem:s23+$0x40];
	v12 =	vmul.f32 v4, v4;
	v15 =	vmul.f32 v5, v5  }
0x4d: {  	v16 =	vld [tilespmem:s24+$0x40];
	v17 =	vmul.f32 v6, v6;
	v20 =	vmul.f32 v9, v9  }
0x4e: {  	v21 =	vld [tilespmem:s23+$0xFFFFFFC0];
	v22 =	vmul.f32 v10, v10;
	v25 =	vmul.f32 v60, v60  }
0x4f: {  	v23 =	vld [tilespmem:s23+$0xFFFFFFD0];
	v30 =	vmul.f32 v19, v19;
	(erf) = vrcp.f32 v3;
	v7 =	vmin.f32 v7, $2.500000000e+01  }
0x50: {  	v26 =	vld [tilespmem:s23+$0xFFFFFFE0];
	v3 =	vmin.f32 v8, $2.500000000e+01;
	v2 =	vmin.f32 v2, $2.500000000e+01;
	v12 =	vmin.f32 v12, $2.500000000e+01  }
0x51: {  	v27 =	vld [tilespmem:s23+$0xFFFFFFF0];
	v15 =	vmin.f32 v15, $2.500000000e+01;
	v17 =	vmin.f32 v17, $2.500000000e+01;
	(erf) = vrcp.f32 v1  }
0x52: {  	v29 =	vld [tilespmem:s23+$0x0];
	v1 =	vmin.f32 v20, $2.500000000e+01;
	v11 =	vmul.f32 $1.550203480e-06, v7;
	v13 =	vmul.f32 $1.550203480e-06, v3  }
0x53: {  	v34 =	vld [tilespmem:s23+$0x10];
	v20 =	vmin.f32 v22, $2.500000000e+01;
	v18 =	vmul.f32 $1.550203480e-06, v2;
	v24 =	vmul.f32 $1.550203480e-06, v12  }
0x54: {  	v39 =	vld [tilespmem:s23+$0xFFFFFFB0];
	v25 =	vmin.f32 v25, $2.500000000e+01;
	v61 =	vmul.f32 $1.550203480e-06, v15;
	v28 =	vmul.f32 $1.550203480e-06, v17  }
0x55: {  	v35 =	vld [tilespmem:s23+$0x20];
	v30 =	vmin.f32 v30, $2.500000000e+01;
	v31 =	vmul.f32 $1.550203480e-06, v1;
	v32 =	vmul.f32 $1.550203480e-06, v20  }
0x56: {  	v37 =	vld [tilespmem:s23+$0x30];
	v33 =	vmul.f32 $1.550203480e-06, v25;
	v36 =	vmul.f32 $1.550203480e-06, v30  }
0x57: {  	v40 =	vld [tilespmem:s24+$0xFFFFFFB0];
	(erf) = vrcp.f32 v4;
	v11 =	vadd.f32 $-2.917088280e-04, v11;
	v13 =	vadd.f32 $-2.917088280e-04, v13  }
0x58: {  	v43 =	vld [tilespmem:s24+$0xFFFFFFC0];
	(erf) = vrcp.f32 v5;
	v18 =	vadd.f32 $-2.917088280e-04, v18;
	v24 =	vadd.f32 $-2.917088280e-04, v24  }
0x59: {  	v14 =	vld.idx.msk [tilespmem:v14+s5+$0x0], $0xffff;
	v22 =	vadd.f32 $-2.917088280e-04, v61;
	v28 =	vadd.f32 $-2.917088280e-04, v28;
	(erf) = vrcp.f32 v6  }
0x5a: {  	v16 =	vld.idx.msk [tilespmem:v16+s5+$0x0], $0xffff;
	v31 =	vadd.f32 $-2.917088280e-04, v31;
	(erf) = vrcp.f32 v9;
	v11 =	vmul.f32 v11, v7  }
0x5b: {  	v4 =	vld [tilespmem:s24+$0x0];
	v32 =	vadd.f32 $-2.917088280e-04, v32;
	v13 =	vmul.f32 v13, v3;
	v18 =	vmul.f32 v18, v2  }
0x5c: {  	v51 =	vld.idx.msk [tilespmem:v39+s5+$0x0], $0xffff;
	v33 =	vadd.f32 $-2.917088280e-04, v33;
	v24 =	vmul.f32 v24, v12;
	v62 =	vmul.f32 v22, v15  }
0x5d: {  	v8 =	vld.idx.msk [tilespmem:v21+s5+$0x0], $0xffff;
	v36 =	vadd.f32 $-2.917088280e-04, v36;
	v28 =	vmul.f32 v28, v17;
	v31 =	vmul.f32 v31, v1  }
0x5e: {  	v53 =	vld.idx.msk [tilespmem:v23+s5+$0x0], $0xffff;
	v44 =	vmul.f32 v32, v20;
	v33 =	vmul.f32 v33, v25  }
0x5f: {  	v55 =	vld.idx.msk [tilespmem:v26+s5+$0x0], $0xffff;
	v36 =	vmul.f32 v36, v30;
	v11 =	vadd.f32 $2.319849100e-02, v11;
	v13 =	vadd.f32 $2.319849100e-02, v13  }
0x60: {  	v58 =	vld.idx.msk [tilespmem:v27+s5+$0x0], $0xffff;
	v41 =	vand.u32 $0x3FF, v14;
	v18 =	vadd.f32 $2.319849100e-02, v18;
	v63 =	vadd.f32 $2.319849100e-02, v24  }
0x61: {  	v59 =	vld.idx.msk [tilespmem:v29+s5+$0x0], $0xffff;
	v14 =	vmul.f32 v16, v14;
	v16 =	vadd.f32 $2.319849100e-02, v62;
	v28 =	vadd.f32 $2.319849100e-02, v28  }
0x62: {  	v39 =	vld.idx.msk [tilespmem:v40+s5+$0x0], $0xffff;
	v45 =	vadd.f32 $2.319849100e-02, v31;
	v24 =	vadd.f32 $2.319849100e-02, v44;
	v11 =	vmul.f32 v11, v7  }
0x63: {  	v61 =	vld.idx.msk [tilespmem:v34+s5+$0x0], $0xffff;
	v46 =	vadd.f32 $2.319849100e-02, v33;
	v47 =	vmul.f32 v13, v3;
	v49 =	vmul.f32 v18, v2  }
0x64: {  	v22 =	vld [tilespmem:s24+$0xFFFFFFD0];
	v50 =	vmul.f32 v63, v12;
	v16 =	vmul.f32 v16, v15;
	v11 =	vadd.f32 $-7.098363640e-01, v11  }
0x65: {  	v32 =	vld [tilespmem:s24+$0xFFFFFFF0];
	v48 =	vadd.f32 $2.319849100e-02, v36;
	v52 =	vmul.f32 v28, v17;
	v54 =	vmul.f32 v24, v20  }
0x66: {  	v13 =	vld [tilespmem:s24+$0x10];
	v56 =	vmul.f32 v46, v25;
	v5 =	vadd.f32 $-7.098363640e-01, v47;
	v6 =	vadd.f32 $-7.098363640e-01, v49  }
0x67: {  	v18 =	vld [tilespmem:s24+$0x20];
	v9 =	vadd.f32 $-7.098363640e-01, v50;
	v16 =	vadd.f32 $-7.098363640e-01, v16;
	v7 =	vmul.f32 v11, v7  }
0x68: {  	v63 =	vld.idx.msk [tilespmem:v35+s5+$0x0], $0xffff;
	v21 =	vadd.f32 $-7.098363640e-01, v52;
	v23 =	vadd.f32 $-7.098363640e-01, v54;
	v11 =	vpop (erf)  }
0x69: {  	v57 =	vmul.f32 v48, v30;
	v35 =	vld.idx.msk [tilespmem:v37+s5+$0x0], $0xffff;
	v26 =	vadd.f32 $-7.098363640e-01, v56;
	v7 =	vadd.f32 $7.199254510e+00, v7;
	v38 =	vpop (erf)  }
0x6a: {  	v4 =	vld.idx.msk [tilespmem:v4+s5+$0x0], $0xffff;
	v47 =	vand.u32 $0x3FF, v51;
	v3 =	vmul.f32 v5, v3;
	v2 =	vmul.f32 v6, v2;
	v42 =	vpop (erf)  }
0x6b: {  	v50 =	vand.u32 $0x3FF, v8;
	v9 =	vmul.f32 v9, v12;
	v7 =	vmul.f32 v7, v42;
	v42 =	vld [tilespmem:s24+$0xFFFFFFE0]  }
0x6c: {  	v52 =	vand.u32 $0x3FF, v55;
	v15 =	vmul.f32 v16, v15;
	v62 =	vmul.f32 v21, v17;
	v22 =	vld.idx.msk [tilespmem:v22+s5+$0x0], $0xffff  }
0x6d: {  	v54 =	vand.u32 $0x3FF, v58;
	v34 =	vmul.f32 v23, v20;
	v37 =	vmul.f32 v26, v25;
	v48 =	vld.idx.msk [tilespmem:v32+s5+$0x0], $0xffff  }
0x6e: {  	v3 =	vadd.f32 $7.199254510e+00, v3;
	v2 =	vadd.f32 $7.199254510e+00, v2;
	v13 =	vld.idx.msk [tilespmem:v13+s5+$0x0], $0xffff;
	v7 =	vmul.f32 v7, v14  }
0x6f: {  	v56 =	vand.u32 $0x3FF, v59;
	v4 =	vmul.f32 v4, v59;
	(erf) = vrcp.f32 v10;
	v14 =	vld [tilespmem:s24+$0x30]  }
0x70: {  	v33 =	vadd.f32 $7.199254510e+00, v9;
	v3 =	vmul.f32 v3, v11;
	v2 =	vmul.f32 v2, v38;
	[tilespmem:v41+s17+$0x0] =	vst.idx.add.f32.msk $0xffff, v7  }
0x71: {  	v10 =	vmul.f32 v39, v51;
	v51 =	vand.u32 $0x3FF, v53;
	(erf) = vrcp.f32 v60;
	v41 =	vld.idx.msk [tilespmem:v43+s5+$0x0], $0xffff  }
0x72: {  	v60 =	vadd.f32 $-7.098363640e-01, v57;
	v53 =	vmul.f32 v22, v53;
	v7 =	vmul.f32 v45, v1  }
0x73: {  	v15 =	vadd.f32 $7.199254510e+00, v15;
	v36 =	vpop (erf);
	v5 =	vmul.f32 v48, v58;
	(erf) = vrcp.f32 v19;
	v45 =	vld.idx.msk [tilespmem:v42+s5+$0x0], $0xffff  }
0x74: {  	v40 =	vpop (erf);
	v3 =	vmul.f32 v3, v10;
	v27 =	vmul.f32 v60, v30;
	v7 =	vadd.f32 $-7.098363640e-01, v7  }
0x75: {  	v16 =	vadd.f32 $7.199254510e+00, v62;
	v15 =	vmul.f32 v15, v40;
	v59 =	vmul.f32 v13, v61  }
0x76: {  	v9 =	vadd.f32 $7.199254510e+00, v34;
	v43 =	vpop (erf);
	v1 =	vmul.f32 v7, v1;
	v8 =	vmul.f32 v41, v8  }
0x77: {  	v23 =	vadd.f32 $7.199254510e+00, v37;
	v18 =	vld.idx.msk [tilespmem:v18+s5+$0x0], $0xffff;
	v44 =	vpop (erf);
	v16 =	vmul.f32 v16, v43;
	v7 =	vmul.f32 v33, v36  }
0x78: {  	[tilespmem:v47+s17+$0x0] =	vst.idx.add.f32.msk $0xffff, v3;
	v46 =	vpop (erf);
	v1 =	vadd.f32 $7.199254510e+00, v1;
	v2 =	vmul.f32 v2, v8;
	v55 =	vmul.f32 v45, v55  }
0x79: {  	v57 =	vand.u32 $0x3FF, v61;
	v9 =	vmul.f32 v9, v46;
	v14 =	vld.idx.msk [tilespmem:v14+s5+$0x0], $0xffff;
	v3 =	vmul.f32 v7, v53  }
0x7a: {  	v58 =	vand.u32 $0x3FF, v63;
	v49 =	vpop (erf);
	v1 =	vmul.f32 v1, v44;
	[tilespmem:v50+s17+$0x0] =	vst.idx.add.f32.msk $0xffff, v2;
	v2 =	vmul.f32 v15, v55  }
0x7b: {  	v27 =	vadd.f32 $7.199254510e+00, v27;
	v23 =	vmul.f32 v23, v49;
	[tilespmem:v51+s17+$0x0] =	vst.idx.add.f32.msk $0xffff, v3;
	v3 =	vmul.f32 v16, v5  }
0x7c: {  	v60 =	vpop (erf);
	v1 =	vmul.f32 v1, v4;
	[tilespmem:v52+s17+$0x0] =	vst.idx.add.f32.msk $0xffff, v2;
	v2 =	vmul.f32 v18, v63  }
0x7d: {  	v61 =	vmul.f32 v27, v60;
	[tilespmem:v54+s17+$0x0] =	vst.idx.add.f32.msk $0xffff, v3;
	v3 =	vmul.f32 v9, v59  }
0x7e: {  	v62 =	vmul.f32 v14, v35;
	[tilespmem:v56+s17+$0x0] =	vst.idx.add.f32.msk $0xffff, v1;
	v63 =	vmul.f32 v23, v2  }
0x7f: {  	[tilespmem:v57+s17+$0x0] =	vst.idx.add.f32.msk $0xffff, v3  }
0x80: {  	s25 =	simm.s32 $0x0;
	s26 =	sadd.s32 $0xA0, s31;
	v1 =	vand.u32 $0x3FF, v35;
	v2 =	vmul.f32 v61, v62;
	[tilespmem:v58+s17+$0x0] =	vst.idx.add.f32.msk $0xffff, v63  }
.LBB2_5:
0x81: {  	v8 =	vld [tilespmem:s26+$0x40];
	s25 =	sadd.s32 $0xA, s25  }
0x82: {  	v3 =	vld [tilespmem:s26+$0xFFFFFFB0];
	p1 =	slt.u32 s25, $0xF0  }
0x83: {  	v4 =	vld [tilespmem:s26+$0xFFFFFFC0]  }
0x84: {  	v17 =	vld [tilespmem:s26+$0xFFFFFFD0]  }
0x85: {  	v18 =	vld [tilespmem:s26+$0xFFFFFFE0]  }
0x86: {  	v14 =	vld [tilespmem:s26+$0xFFFFFFF0];
	v5 =	vmul.f32 v8, v8  }
0x87: {  	v6 =	vmul.f32 v3, v3;
	v15 =	vld [tilespmem:s26+$0x0];
	(erf) = vrcp.f32 v3  }
0x88: {  	v3 =	vmul.f32 v4, v4;
	v13 =	vld [tilespmem:s26+$0x10];
	v19 =	vmin.f32 v5, $2.500000000e+01;
	(erf) = vrcp.f32 v4  }
0x89: {  	s23 =	sadd.s32 $0xA0, s23;
	v4 =	vmin.f32 v6, $2.500000000e+01;
	v6 =	vmul.f32 v17, v17;
	v16 =	vld [tilespmem:s26+$0x20];
	v7 =	vmul.f32 $1.550203480e-06, v19  }
0x8a: {  	s24 =	sadd.s32 $0xA0, s24;
	v9 =	vmul.f32 $1.550203480e-06, v4;
	v5 =	vmin.f32 v3, $2.500000000e+01;
	v10 =	vmul.f32 v18, v18;
	v20 =	vld [tilespmem:s23+$0x40]  }
0x8b: {  	v3 =	vmin.f32 v6, $2.500000000e+01;
	v11 =	vmul.f32 v14, v14;
	v21 =	vld [tilespmem:s24+$0x40];
	v12 =	vadd.f32 $-2.917088280e-04, v7  }
0x8c: {  	v22 =	vmul.f32 $1.550203480e-06, v5;
	v6 =	vmin.f32 v10, $2.500000000e+01;
	v10 =	vmul.f32 v15, v15;
	v23 =	vld [tilespmem:s26+$0x30]  }
0x8d: {  	v24 =	vld [tilespmem:s23+$0xFFFFFFC0];
	v7 =	vmin.f32 v11, $2.500000000e+01;
	v25 =	vmul.f32 v13, v13;
	v12 =	vmul.f32 v12, v19  }
0x8e: {  	v27 =	vmul.f32 $1.550203480e-06, v3;
	v26 =	vld [tilespmem:s23+$0xFFFFFFD0];
	v11 =	vmin.f32 v10, $2.500000000e+01;
	v28 =	vmul.f32 v16, v16  }
0x8f: {  	v29 =	vld [tilespmem:s23+$0xFFFFFFE0];
	v10 =	vmin.f32 v25, $2.500000000e+01;
	v25 =	vadd.f32 $2.319849100e-02, v12;
	(erf) = vrcp.f32 v8  }
0x90: {  	v30 =	vmul.f32 $1.550203480e-06, v6;
	v32 =	vmul.f32 $1.550203480e-06, v7;
	v31 =	vld [tilespmem:s23+$0xFFFFFFF0];
	v12 =	vmin.f32 v28, $2.500000000e+01;
	v8 =	vpop (erf)  }
0x91: {  	v28 =	vadd.f32 $-2.917088280e-04, v9;
	v33 =	vld [tilespmem:s23+$0x0];
	v34 =	vmul.f32 v23, v23;
	v25 =	vmul.f32 v25, v19;
	v9 =	vpop (erf)  }
0x92: {  	v22 =	vadd.f32 $-2.917088280e-04, v22;
	v35 =	vmul.f32 $1.550203480e-06, v11;
	v36 =	vmul.f32 $1.550203480e-06, v10;
	v20 =	vld.idx.msk [tilespmem:v20+s5+$0x0], $0xffff  }
0x93: {  	v37 =	vmul.f32 $1.550203480e-06, v12;
	v34 =	vmin.f32 v34, $2.500000000e+01;
	v21 =	vld.idx.msk [tilespmem:v21+s5+$0x0], $0xffff;
	v25 =	vadd.f32 $-7.098363640e-01, v25  }
0x94: {  	v27 =	vadd.f32 $-2.917088280e-04, v27;
	v30 =	vadd.f32 $-2.917088280e-04, v30;
	v38 =	vld [tilespmem:s23+$0x10];
	v39 =	vmul.f32 $1.550203480e-06, v34  }
0x95: {  	v32 =	vadd.f32 $-2.917088280e-04, v32;
	v35 =	vadd.f32 $-2.917088280e-04, v35;
	v40 =	vld [tilespmem:s23+$0x20];
	v19 =	vmul.f32 v25, v19  }
0x96: {  	v25 =	vmul.f32 v28, v4;
	v28 =	vadd.f32 $-2.917088280e-04, v36;
	v36 =	vadd.f32 $-2.917088280e-04, v37;
	v37 =	vld [tilespmem:s23+$0x30]  }
0x97: {  	v22 =	vmul.f32 v22, v5;
	v39 =	vadd.f32 $-2.917088280e-04, v39;
	v41 =	vld [tilespmem:s23+$0xFFFFFFB0];
	v19 =	vadd.f32 $7.199254510e+00, v19  }
0x98: {  	v27 =	vmul.f32 v27, v3;
	v30 =	vmul.f32 v30, v6;
	v43 =	vand.u32 $0x3FF, v20;
	v42 =	vld [tilespmem:s24+$0xFFFFFFB0];
	v44 =	vpop (erf)  }
0x99: {  	v25 =	vadd.f32 $2.319849100e-02, v25;
	v20 =	vmul.f32 v21, v20;
	v45 =	vld [tilespmem:s24+$0xFFFFFFC0];
	v19 =	vmul.f32 v19, v44  }
0x9a: {  	v32 =	vmul.f32 v32, v7;
	v35 =	vmul.f32 v35, v11;
	v21 =	vadd.f32 $2.319849100e-02, v22;
	v22 =	vld [tilespmem:s24+$0xFFFFFFD0]  }
0x9b: {  	v27 =	vadd.f32 $2.319849100e-02, v27;
	v28 =	vmul.f32 v28, v10;
	v44 =	vld [tilespmem:s24+$0xFFFFFFE0];
	v19 =	vmul.f32 v19, v20  }
0x9c: {  	v36 =	vmul.f32 v36, v12;
	v39 =	vmul.f32 v39, v34;
	v20 =	vadd.f32 $2.319849100e-02, v30;
	v30 =	vld [tilespmem:s24+$0xFFFFFFF0]  }
0x9d: {  	v32 =	vadd.f32 $2.319849100e-02, v32;
	v35 =	vadd.f32 $2.319849100e-02, v35;
	[tilespmem:v43+s17+$0x0] =	vst.idx.add.f32.msk $0xffff, v19;
	(erf) = vrcp.f32 v17  }
0x9e: {  	v19 =	vadd.f32 $2.319849100e-02, v28;
	v28 =	vadd.f32 $2.319849100e-02, v36;
	v17 =	vld [tilespmem:s24+$0x0];
	(erf) = vrcp.f32 v18  }
0x9f: {  	v36 =	vadd.f32 $2.319849100e-02, v39;
	v18 =	vmul.f32 v25, v4;
	v25 =	vld [tilespmem:s24+$0x10];
	(erf) = vrcp.f32 v14  }
0xa0: {  	v14 =	vmul.f32 v21, v5;
	v21 =	vld [tilespmem:s24+$0x20];
	(erf) = vrcp.f32 v15  }
0xa1: {  	v15 =	vadd.f32 $-7.098363640e-01, v18;
	v18 =	vmul.f32 v27, v3;
	v27 =	vld [tilespmem:s24+$0x30];
	(erf) = vrcp.f32 v13  }
0xa2: {  	v20 =	vmul.f32 v20, v6;
	v14 =	vadd.f32 $-7.098363640e-01, v14;
	v13 =	vld.idx.msk [tilespmem:v41+s5+$0x0], $0xffff;
	(erf) = vrcp.f32 v16  }
0xa3: {  	v18 =	vadd.f32 $-7.098363640e-01, v18;
	v16 =	vld.idx.msk [tilespmem:v24+s5+$0x0], $0xffff;
	v24 =	vmul.f32 v32, v7;
	(erf) = vrcp.f32 v23  }
0xa4: {  	v20 =	vadd.f32 $-7.098363640e-01, v20;
	v19 =	vmul.f32 v19, v10;
	v23 =	vld.idx.msk [tilespmem:v26+s5+$0x0], $0xffff;
	v26 =	vmul.f32 v35, v11  }
0xa5: {  	v28 =	vmul.f32 v28, v12;
	v32 =	vmul.f32 v36, v34;
	v29 =	vld.idx.msk [tilespmem:v29+s5+$0x0], $0xffff;
	v24 =	vadd.f32 $-7.098363640e-01, v24  }
0xa6: {  	v19 =	vadd.f32 $-7.098363640e-01, v19;
	v4 =	vmul.f32 v15, v4;
	v15 =	vld.idx.msk [tilespmem:v31+s5+$0x0], $0xffff;
	v35 =	vadd.f32 $-7.098363640e-01, v26;
	v31 =	vpop (erf)  }
0xa7: {  	v5 =	vmul.f32 v14, v5;
	v36 =	vadd.f32 $-7.098363640e-01, v28;
	v32 =	vadd.f32 $-7.098363640e-01, v32;
	v14 =	vld.idx.msk [tilespmem:v33+s5+$0x0], $0xffff;
	v33 =	vpop (erf)  }
0xa8: {  	v6 =	vmul.f32 v20, v6;
	v4 =	vadd.f32 $7.199254510e+00, v4;
	v3 =	vmul.f32 v18, v3;
	v18 =	vld.idx.msk [tilespmem:v38+s5+$0x0], $0xffff;
	v20 =	vpop (erf)  }
0xa9: {  	v5 =	vadd.f32 $7.199254510e+00, v5;
	v7 =	vmul.f32 v24, v7;
	v11 =	vmul.f32 v35, v11;
	v24 =	vld.idx.msk [tilespmem:v40+s5+$0x0], $0xffff;
	v26 =	vpop (erf)  }
0xaa: {  	v10 =	vmul.f32 v19, v10;
	v12 =	vmul.f32 v36, v12;
	v3 =	vadd.f32 $7.199254510e+00, v3;
	v19 =	vld.idx.msk [tilespmem:v37+s5+$0x0], $0xffff;
	v28 =	vpop (erf)  }
0xab: {  	v6 =	vadd.f32 $7.199254510e+00, v6;
	v32 =	vmul.f32 v32, v34;
	v7 =	vadd.f32 $7.199254510e+00, v7;
	v35 =	vld.idx.msk [tilespmem:v42+s5+$0x0], $0xffff;
	v34 =	vpop (erf)  }
0xac: {  	v10 =	vadd.f32 $7.199254510e+00, v10;
	v4 =	vmul.f32 v4, v8;
	v11 =	vadd.f32 $7.199254510e+00, v11;
	v8 =	vld.idx.msk [tilespmem:v45+s5+$0x0], $0xffff;
	v36 =	vpop (erf)  }
0xad: {  	v5 =	vmul.f32 v5, v9;
	v12 =	vadd.f32 $7.199254510e+00, v12;
	v9 =	vld.idx.msk [tilespmem:v22+s5+$0x0], $0xffff;
	v22 =	vadd.f32 $7.199254510e+00, v32  }
0xae: {  	v3 =	vmul.f32 v3, v31;
	v6 =	vmul.f32 v6, v33;
	v32 =	vand.u32 $0x3FF, v13;
	v31 =	vld.idx.msk [tilespmem:v44+s5+$0x0], $0xffff  }
0xaf: {  	v33 =	vand.u32 $0x3FF, v16;
	v7 =	vmul.f32 v7, v20;
	v11 =	vmul.f32 v11, v26;
	v30 =	vld.idx.msk [tilespmem:v30+s5+$0x0], $0xffff  }
0xb0: {  	v20 =	vand.u32 $0x3FF, v23;
	v10 =	vmul.f32 v10, v28;
	v12 =	vmul.f32 v12, v34;
	v17 =	vld.idx.msk [tilespmem:v17+s5+$0x0], $0xffff  }
0xb1: {  	v26 =	vand.u32 $0x3FF, v29;
	v22 =	vmul.f32 v22, v36;
	v13 =	vmul.f32 v35, v13;
	v25 =	vld.idx.msk [tilespmem:v25+s5+$0x0], $0xffff  }
0xb2: {  	v28 =	vand.u32 $0x3FF, v14;
	v8 =	vmul.f32 v8, v16;
	v16 =	vand.u32 $0x3FF, v15;
	v21 =	vld.idx.msk [tilespmem:v21+s5+$0x0], $0xffff  }
0xb3: {  	v4 =	vmul.f32 v4, v13;
	v9 =	vmul.f32 v9, v23;
	v13 =	vand.u32 $0x3FF, v18;
	v23 =	vld.idx.msk [tilespmem:v27+s5+$0x0], $0xffff  }
0xb4: {  	v5 =	vmul.f32 v5, v8;
	v8 =	vmul.f32 v31, v29;
	v27 =	vand.u32 $0x3FF, v24;
	[tilespmem:v1+s17+$0x0] =	vst.idx.add.f32.msk $0xffff, v2  }
0xb5: {  	v2 =	vmul.f32 v3, v9;
	v3 =	vmul.f32 v30, v15;
	v1 =	vand.u32 $0x3FF, v19;
	[tilespmem:v32+s17+$0x0] =	vst.idx.add.f32.msk $0xffff, v4  }
0xb6: {  	v4 =	vmul.f32 v6, v8;
	[tilespmem:v33+s17+$0x0] =	vst.idx.add.f32.msk $0xffff, v5;
	v5 =	vmul.f32 v17, v14  }
0xb7: {  	[tilespmem:v20+s17+$0x0] =	vst.idx.add.f32.msk $0xffff, v2;
	v2 =	vmul.f32 v7, v3;
	v3 =	vmul.f32 v25, v18  }
.Ltmp1:
0xb8: {  	[tilespmem:v26+s17+$0x0] =	vst.idx.add.f32.msk $0xffff, v4;
	v4 =	vmul.f32 v11, v5;
	v5 =	vmul.f32 v21, v24;
	(pc) =	sbr.rel @p1 .LBB2_5-.Ltmp1, $4  }
0xb9: {  	[tilespmem:v16+s17+$0x0] =	vst.idx.add.f32.msk $0xffff, v2;
	v2 =	vmul.f32 v10, v3;
	v3 =	vmul.f32 v23, v19  }
0xba: {  	[tilespmem:v28+s17+$0x0] =	vst.idx.add.f32.msk $0xffff, v4;
	v4 =	vmul.f32 v12, v5  }
0xbb: {  	[tilespmem:v13+s17+$0x0] =	vst.idx.add.f32.msk $0xffff, v2;
	v2 =	vmul.f32 v22, v3  }
0xbc: {  	s26 =	sadd.s32 $0xA0, s26;
	[tilespmem:v27+s17+$0x0] =	vst.idx.add.f32.msk $0xffff, v4  }
0xbd: {  	s22 =	sadd.s32 $0x1, s22  }
0xbe: {  	p1 =	sne.s32 s22, $0x32  }
.Ltmp2:
0xbf: {  	_ = 	snop;
	(pc) =	sbr.rel @p1 .LBB2_4-.Ltmp2, $2  }
0xc0: {  	_ =	sdelay $0x2  }
0xc1: {  	[tilespmem:v1+s17+$0x0] =	vst.idx.add.f32.msk $0xffff, v2;
	p0 =	por !p0, !p0  }
0xc2: {  	s21 =	sadd.s32 $0x1, s21  }
0xc3: {  	p0 =	sne.s32 s21, s12  }
.Ltmp3:
0xc4: {  	_ = 	snop;
	(pc) =	sbr.rel @p0 .LBB2_1-.Ltmp3, $4  }
0xc5: {  	[hbm4b:s11+s18] =	stream.strided.scatter [tilespmem:s17], [sflag:$0x8], $0x400, s19, s18, $0x38;
	[tilespmem:$0x1E980] =	vst v63  }
0xc6: {  	_ =	swait.ge [sflag:s20], $0x400  }
0xc7: {  	[sflag:s20] =	ssyncset.done $0x0  }
0xc8: {  	[sflag:s20] =	ssyncadd.s32 $0xFFFFFC00  }
0xc9: {  	_ =	sfence.sel $0x180000  }
0xca: {  	[bflag:$0x0] =	sbarrier.arrive $0xFFFF  }
0xcb: {  	p0 =	sne.s32 s4, $0x0;
	_ =	strace $0x90000047  }
0xcc: {  	s0 =	sadd.s32 @!p0 $0x100000, s0;
	[bflag:$0x2] =	sbarrier.arrive $0xFFFF  }
0xcd: {  	[sflag:s0] =	ssyncadd.tile.s32 @!p0 $0x1;
	_ =	shalt  }
.Lfunc_end2:
_tile_overlayer_lowered:
.L_overlay_start_2:
0xce: {  	(tag) =	ssettag $0x2  }
0xcf: {  	s0 =	rddreg [dreg:$0x0];
	s2 =	stileid.u32  }
0xd0: {  	s1 =	rddreg [dreg:$0x1];
	p0 =	sne.s32 s2, $0x0  }
0xd1: {  	s3 =	rddreg [dreg:$0x2];
	[bflag:$0x3] =	sbarrier.arrive $0xFFFF;
	s2 =	simm.s32 @!p0 $0x1C08  }
0xd2: {  	[timem:s3], [sflag:s2] =	dma.local @!p0 [hbm:s0], s1  }
0xd3: {  	s0 =	simm.s32 @!p0 $0x8  }
0xd4: {  	_ =	swait.ge @!p0 [sflag:s0], s1  }
0xd5: {  	s1 =	ssub.s32 @!p0 $0x0, s1;
	[sflag:s0] =	ssyncset.done @!p0 $0x0  }
0xd6: {  	[sflag:s0] =	ssyncadd.s32 @!p0 s1  }
0xd7: {  	[bflag:$0x3] =	sbarrier.arrive $0xFFFF  }
0xd8: {  	_ =	shalt  }

</sc_bundles>
